<compile_context>
chip_gen: v7x
topology: tpu7x:2x2x1
jax: 0.10.2.dev20260603
libtpu: 0.0.44.dev20260713+nightly
codegen_flags: <defaults>
</compile_context>

<pallas_src>
import functools

import jax
import jax.numpy as jnp
from jax import lax
from jax.experimental import pallas as pl
from jax.experimental.pallas import tpu as pltpu
from jax.experimental.pallas import tpu_sc as plsc

_THRESHOLD = 0.7
_KEEP_NUM = 32768
_N = 131072
_C = 256

_BR = 2048
_NB = _N // _BR
_R2 = 1024
_C2 = _N // _R2

_NC = 2
_NS = 16
_NW = _NC * _NS
_CHUNK = _N // _NW
_CROWS = _CHUNK // 128


def _logz_body(x_ref, logz_ref):
    x = x_ref[...]
    m = jnp.max(x, axis=1, keepdims=True)
    e = jnp.exp(x - m)
    s = jnp.sum(e, axis=1)
    logz_ref[0, 0, :] = m[:, 0] + jnp.log(s)


def _sc_pick_body(outflat_hbm, tgt_hbm, picked_hbm, idx_v, rows_v, sem):
    wid = lax.axis_index("s") * _NC + lax.axis_index("c")
    base = wid * _CHUNK
    pltpu.sync_copy(tgt_hbm.at[wid], idx_v)

    def body(j, carry):
        t16 = idx_v[pl.ds(j * 16, 16)]
        g = base + j * 16
        rowid = g + lax.iota(jnp.int32, 16)
        idx_v[pl.ds(j * 16, 16)] = rowid * _C + t16
        return carry

    lax.fori_loop(0, _CHUNK // 16, body, 0)
    pltpu.async_copy(outflat_hbm.at[idx_v], rows_v, sem).wait()
    pltpu.sync_copy(rows_v, picked_hbm.at[wid])


def _select_body(logz_ref, picked_ref, out_ref, keys_ref, x_ref):
    _SIGN = jnp.int32(-2 ** 31)
    x = logz_ref[...] - picked_ref[...]
    x_ref[...] = x
    bits = lax.bitcast_convert_type(x, jnp.int32)
    ikey = jnp.where(bits >= 0, bits,
                     jnp.bitwise_xor(jnp.bitwise_not(bits), _SIGN))
    keys_ref[...] = ikey

    k1 = jnp.int32(_KEEP_NUM)
    k2 = jnp.int32(_KEEP_NUM + 1)

    def body(b, carry):
        p1, p2 = carry
        bit = jnp.left_shift(jnp.int32(1), 31 - b)
        c1 = jnp.bitwise_or(p1, bit)
        c2 = jnp.bitwise_or(p2, bit)
        k = keys_ref[...]
        cnt1 = jnp.sum((k >= jnp.bitwise_xor(c1, _SIGN)).astype(jnp.int32))
        cnt2 = jnp.sum((k >= jnp.bitwise_xor(c2, _SIGN)).astype(jnp.int32))
        p1 = jnp.where(cnt1 >= k1, c1, p1)
        p2 = jnp.where(cnt2 >= k2, c2, p2)
        return p1, p2

    p1, p2 = lax.fori_loop(0, 32, body, (jnp.int32(0), jnp.int32(0)))
    ikey1 = jnp.bitwise_xor(p1, _SIGN)
    ikey2 = jnp.bitwise_xor(p2, _SIGN)

    k = keys_ref[...]
    x = x_ref[...]
    v1 = jnp.max(jnp.where(k == ikey1, x, -jnp.inf))
    v2 = jnp.max(jnp.where(k == ikey2, x, -jnp.inf))

    gt1 = k > ikey1
    cnt_top = jnp.sum(gt1.astype(jnp.float32))
    sum_top = jnp.sum(jnp.where(gt1, x, 0.0))
    branch_b = (sum_top + v1 * (jnp.float32(_KEEP_NUM) - cnt_top)) \
        / jnp.float32(_KEEP_NUM)

    m7 = x > jnp.float32(_THRESHOLD)
    sum7 = jnp.sum(jnp.where(m7, x, 0.0))
    cnt7 = jnp.maximum(jnp.sum(m7.astype(jnp.float32)), 1.0)
    branch_a = sum7 / cnt7

    res = jnp.where(v2 > jnp.float32(_THRESHOLD), branch_a, branch_b)
    out_ref[...] = jnp.broadcast_to(res, (1, 1))


@functools.partial(
    pl.kernel,
    mesh=plsc.VectorSubcoreMesh(core_axis_name="c", subcore_axis_name="s"),
    out_type=jax.ShapeDtypeStruct((_NW, _CHUNK), jnp.float32),
    scratch_types=[
        pltpu.VMEM((_CHUNK,), jnp.int32),
        pltpu.VMEM((_CHUNK,), jnp.float32),
        pltpu.SemaphoreType.DMA,
    ],
)
def _sc_pick(outflat_hbm, tgt_hbm, picked_hbm, idx_v, rows_v, sem):
    _sc_pick_body(outflat_hbm, tgt_hbm, picked_hbm, idx_v, rows_v, sem)


def kernel(output, target):
    picked = _sc_pick(output.reshape(_N * _C),
                      target.reshape(_NW, _CHUNK))

    logz = pl.pallas_call(
        _logz_body,
        grid=(_NB,),
        in_specs=[pl.BlockSpec((_BR, _C), lambda i: (i, 0))],
        out_specs=pl.BlockSpec((1, 1, _BR), lambda i: (i, 0, 0)),
        out_shape=jax.ShapeDtypeStruct((_NB, 1, _BR), jnp.float32),
    )(output)

    res = pl.pallas_call(
        _select_body,
        out_shape=jax.ShapeDtypeStruct((1, 1), jnp.float32),
        scratch_shapes=[pltpu.VMEM((_R2, _C2), jnp.int32),
                        pltpu.VMEM((_R2, _C2), jnp.float32)],
    )(logz.reshape(_R2, _C2), picked.reshape(_R2, _C2))
    return res[0, 0]

# --- scband reference (transcript-rebuilt; emitter-appended) ---
"""Pipeline reference for scband-ohem-cross-entroy-loss-687194767998 (READ-ONLY COPY).

The authoritative reference and input builder live on the scoring server;
editing this copy changes nothing except your own understanding.
"""

import jax, jax.numpy as jnp
import numpy as np

THRESHOLD = 0.7
KEEP_NUM = 32768
N = 131072
C = 256


def setup_inputs(seed: int = 0) -> dict:
    key = jax.random.key(seed)
    k1, k2 = jax.random.split(key)
    output = jax.random.normal(k1, (N, C), dtype=jnp.float32)
    target = jax.random.randint(k2, (N,), 0, C, dtype=jnp.int32)
    return {"output": output, "target": target}


def _per_sample_ce(output, target):
    # nn.CrossEntropyLoss(reduction='none'): logsumexp(o) - o[target]
    logz = jax.scipy.special.logsumexp(output, axis=1)
    picked = jnp.take_along_axis(output, target[:, None].astype(jnp.int32), axis=1)[:, 0]
    return logz - picked


def reference(output, target):
    loss = _per_sample_ce(output, target).reshape(-1)
    # torch.sort(loss, descending=True)
    sorted_loss = jnp.sort(loss)[::-1]
    threshold_in_keep_num = sorted_loss[KEEP_NUM]
    # branch A: keep losses > threshold (masked mean, faithful to loss[loss > threshold].mean())
    mask = sorted_loss > THRESHOLD
    cnt = jnp.maximum(jnp.sum(mask.astype(jnp.float32)), 1.0)
    branch_a = jnp.sum(jnp.where(mask, sorted_loss, 0.0)) / cnt
    # branch B: mean of top keep_num losses
    branch_b = jnp.mean(sorted_loss[:KEEP_NUM])
    return jnp.where(threshold_in_keep_num > THRESHOLD, branch_a, branch_b)

if __name__ == "__main__":
    import jax
    _d = setup_inputs()
    print(jax.jit(kernel)(*tuple(_d.values())))

</pallas_src>

<mosaic_0001>
#map = affine_map<(d0, d1) -> (0)>
#map1 = affine_map<(d0, d1) -> (0, 0)>
module attributes {stable_mosaic.version = 14 : i64} {
  func.func @_sc_pick(%arg0: i32, %arg1: i32, %arg2: memref<33554432xf32, #tpu.memory_space<hbm>>, %arg3: memref<32x4096xi32, #tpu.memory_space<hbm>>, %arg4: memref<32x4096xf32, #tpu.memory_space<hbm>>, %arg5: memref<4096xi32, #tpu.memory_space<vmem>>, %arg6: memref<4096xf32, #tpu.memory_space<vmem>>, %arg7: memref<!tpu.dma_semaphore, #tpu.memory_space<semaphore_mem>>) attributes {dimension_semantics = [#tpu.dimension_semantics<core_parallel>, #tpu.dimension_semantics<subcore_parallel>], iteration_bounds = array<i64: 2, 16>, scalar_prefetch = 0 : i64, scratch_operands = 3 : i64, tpu.core_type = #tpu.core_type<sc_vector_subcore>, window_params = [{transform_indices = #map}, {transform_indices = #map1}, {transform_indices = #map1}]} {
    %mul3A = arith.constant 2 : i32
    %mul3A_0 = arith.muli %arg1, %mul3A : i32
    %add3A = arith.addi %mul3A_0, %arg0 : i32
    %mul3A_1 = arith.constant 4096 : i32
    %mul3A_2 = arith.muli %add3A, %mul3A_1 : i32
    "tpu.region"() ({
      %run_scoped3A = tpu.sem_alloc : memref<!tpu.dma_semaphore, #tpu.memory_space<semaphore_mem>>
      %dma_start3A_10 = arith.constant 0 : i32
      %dma_start3A_11 = tpu.memref_slice %arg3[%add3A, %dma_start3A_10] : memref<32x4096xi32, #tpu.memory_space<hbm>> -> memref<1x4096xi32, #tpu.memory_space<hbm>>
      %dma_start3A_12 = tpu.memref_squeeze %dma_start3A_11 : memref<1x4096xi32, #tpu.memory_space<hbm>> -> memref<4096xi32, #tpu.memory_space<hbm>>
      %dma_start3A_13 = arith.constant 0 : i32
      %dma_start3A_14 = tpu.memref_slice %arg3[%add3A, %dma_start3A_13] : memref<32x4096xi32, #tpu.memory_space<hbm>> -> memref<1x4096xi32, #tpu.memory_space<hbm>>
      %dma_start3A_15 = tpu.memref_squeeze %dma_start3A_14 : memref<1x4096xi32, #tpu.memory_space<hbm>> -> memref<4096xi32, #tpu.memory_space<hbm>>
      tpu.enqueue_dma source(%dma_start3A_15 : memref<4096xi32, #tpu.memory_space<hbm>>) target(%arg5 : memref<4096xi32, #tpu.memory_space<vmem>>) target_semaphore(%run_scoped3A : memref<!tpu.dma_semaphore, #tpu.memory_space<semaphore_mem>>)
      %dma_wait3A_16 = arith.constant 0 : i32
      %dma_wait3A_17 = tpu.memref_slice %arg3[%add3A, %dma_wait3A_16] : memref<32x4096xi32, #tpu.memory_space<hbm>> -> memref<1x4096xi32, #tpu.memory_space<hbm>>
      %dma_wait3A_18 = tpu.memref_squeeze %dma_wait3A_17 : memref<1x4096xi32, #tpu.memory_space<hbm>> -> memref<4096xi32, #tpu.memory_space<hbm>>
      %dma_wait3A_19 = arith.constant 0 : i32
      %dma_wait3A_20 = tpu.memref_slice %arg3[%add3A, %dma_wait3A_19] : memref<32x4096xi32, #tpu.memory_space<hbm>> -> memref<1x4096xi32, #tpu.memory_space<hbm>>
      %dma_wait3A_21 = tpu.memref_squeeze %dma_wait3A_20 : memref<1x4096xi32, #tpu.memory_space<hbm>> -> memref<4096xi32, #tpu.memory_space<hbm>>
      tpu.wait_dma2 semaphore(%run_scoped3A : memref<!tpu.dma_semaphore, #tpu.memory_space<semaphore_mem>>) src(%dma_wait3A_21 : memref<4096xi32, #tpu.memory_space<hbm>>) dst(%arg5 : memref<4096xi32, #tpu.memory_space<vmem>>)
      tpu.yield
    }) : () -> ()
    %scan3A = arith.constant 0 : i32
    %scan3A_3 = arith.constant 0 : i32
    %scan3A_4 = arith.constant 256 : i32
    %scan3A_5 = arith.addi %scan3A_3, %scan3A_4 : i32
    %scan3A_6 = arith.constant 1 : i32
    scf.for %scan3A_10 = %scan3A_3 to %scan3A_5 step %scan3A_6  : i32 {
      %mul3A_11 = arith.constant 16 : i32
      %mul3A_12 = arith.muli %scan3A_10, %mul3A_11 : i32
      %get3A = arith.index_cast %mul3A_12 : i32 to index
      %get3A_13 = tpu.vector_load %arg5[%get3A] {strides = array<i32>} : memref<4096xi32, #tpu.memory_space<vmem>>, vector<16xi32>,
      %get3A_14 = vector.shape_cast %get3A_13 : vector<16xi32> to vector<16xi32>
      %mul3A_15 = arith.constant 16 : i32
      %mul3A_16 = arith.muli %scan3A_10, %mul3A_15 : i32
      %add3A_17 = arith.addi %mul3A_2, %mul3A_16 : i32
      %iota3A = tpu.iota {dimensions = array<i32: 0>} : vector<16xi32>
      %add3A_18 = vector.broadcast %add3A_17 : i32 to vector<16xi32>
      %add3A_19 = arith.addi %add3A_18, %iota3A : vector<16xi32>
      %mul3A_20 = arith.constant 256 : i32
      %mul3A_21 = vector.broadcast %mul3A_20 : i32 to vector<16xi32>
      %mul3A_22 = arith.muli %add3A_19, %mul3A_21 : vector<16xi32>
      %add3A_23 = arith.addi %mul3A_22, %get3A_14 : vector<16xi32>
      %mul3A_24 = arith.constant 16 : i32
      %mul3A_25 = arith.muli %scan3A_10, %mul3A_24 : i32
      %swap3A = arith.index_cast %mul3A_25 : i32 to index
      %swap3A_26 = tpu.vector_load %arg5[%swap3A] {strides = array<i32>} : memref<4096xi32, #tpu.memory_space<vmem>>, vector<16xi32>,
      %swap3A_27 = vector.shape_cast %swap3A_26 : vector<16xi32> to vector<16xi32>
      %swap3A_28 = vector.shape_cast %add3A_23 : vector<16xi32> to vector<16xi32>
      tpu.vector_store %arg5[%swap3A], %swap3A_28 {strides = array<i32>} : memref<4096xi32, #tpu.memory_space<vmem>>, vector<16xi32>,
    }
    %scan3A_7 = arith.constant 256 : i32
    %dma_start3A = arith.constant 0 : i32
    %dma_start3A_8 = tpu.memref_slice %arg2[%dma_start3A] : memref<33554432xf32, #tpu.memory_space<hbm>> -> memref<33554432xf32, #tpu.memory_space<hbm>>
    tpu.enqueue_indirect_dma source(%dma_start3A_8 : memref<33554432xf32, #tpu.memory_space<hbm>>) target(%arg6 : memref<4096xf32, #tpu.memory_space<vmem>>) offsets(%arg5 : memref<4096xi32, #tpu.memory_space<vmem>>) semaphore(%arg7 : memref<!tpu.dma_semaphore, #tpu.memory_space<semaphore_mem>>)
    %dma_wait3A = arith.constant 0 : i32
    %dma_wait3A_9 = tpu.memref_slice %arg2[%dma_wait3A] : memref<33554432xf32, #tpu.memory_space<hbm>> -> memref<33554432xf32, #tpu.memory_space<hbm>>
    tpu.wait_indirect_dma semaphore(%arg7 : memref<!tpu.dma_semaphore, #tpu.memory_space<semaphore_mem>>) src(%dma_wait3A_9 : memref<33554432xf32, #tpu.memory_space<hbm>>) dst(%arg6 : memref<4096xf32, #tpu.memory_space<vmem>>)
    "tpu.region"() ({
      %run_scoped3A = tpu.sem_alloc : memref<!tpu.dma_semaphore, #tpu.memory_space<semaphore_mem>>
      %dma_start3A_10 = arith.constant 0 : i32
      %dma_start3A_11 = tpu.memref_slice %arg4[%add3A, %dma_start3A_10] : memref<32x4096xf32, #tpu.memory_space<hbm>> -> memref<1x4096xf32, #tpu.memory_space<hbm>>
      %dma_start3A_12 = tpu.memref_squeeze %dma_start3A_11 : memref<1x4096xf32, #tpu.memory_space<hbm>> -> memref<4096xf32, #tpu.memory_space<hbm>>
      %dma_start3A_13 = arith.constant 0 : i32
      %dma_start3A_14 = tpu.memref_slice %arg4[%add3A, %dma_start3A_13] : memref<32x4096xf32, #tpu.memory_space<hbm>> -> memref<1x4096xf32, #tpu.memory_space<hbm>>
      %dma_start3A_15 = tpu.memref_squeeze %dma_start3A_14 : memref<1x4096xf32, #tpu.memory_space<hbm>> -> memref<4096xf32, #tpu.memory_space<hbm>>
      tpu.enqueue_dma source(%arg6 : memref<4096xf32, #tpu.memory_space<vmem>>) target(%dma_start3A_15 : memref<4096xf32, #tpu.memory_space<hbm>>) target_semaphore(%run_scoped3A : memref<!tpu.dma_semaphore, #tpu.memory_space<semaphore_mem>>)
      %dma_wait3A_16 = arith.constant 0 : i32
      %dma_wait3A_17 = tpu.memref_slice %arg4[%add3A, %dma_wait3A_16] : memref<32x4096xf32, #tpu.memory_space<hbm>> -> memref<1x4096xf32, #tpu.memory_space<hbm>>
      %dma_wait3A_18 = tpu.memref_squeeze %dma_wait3A_17 : memref<1x4096xf32, #tpu.memory_space<hbm>> -> memref<4096xf32, #tpu.memory_space<hbm>>
      %dma_wait3A_19 = arith.constant 0 : i32
      %dma_wait3A_20 = tpu.memref_slice %arg4[%add3A, %dma_wait3A_19] : memref<32x4096xf32, #tpu.memory_space<hbm>> -> memref<1x4096xf32, #tpu.memory_space<hbm>>
      %dma_wait3A_21 = tpu.memref_squeeze %dma_wait3A_20 : memref<1x4096xf32, #tpu.memory_space<hbm>> -> memref<4096xf32, #tpu.memory_space<hbm>>
      tpu.wait_dma2 semaphore(%run_scoped3A : memref<!tpu.dma_semaphore, #tpu.memory_space<semaphore_mem>>) src(%arg6 : memref<4096xf32, #tpu.memory_space<vmem>>) dst(%dma_wait3A_21 : memref<4096xf32, #tpu.memory_space<hbm>>)
      tpu.yield
    }) : () -> ()
    return
  }
}

module attributes {stable_mosaic.version = 14 : i64} {
  func.func @_select_body(%arg0: memref<1024x128xf32, #tpu.memory_space<vmem>>, %arg1: memref<1024x128xf32, #tpu.memory_space<vmem>>, %arg2: memref<1x1xf32, #tpu.memory_space<vmem>>, %arg3: memref<1024x128xi32, #tpu.memory_space<vmem>>, %arg4: memref<1024x128xf32, #tpu.memory_space<vmem>>) attributes {dimension_semantics = [], scalar_prefetch = 0 : i64, scratch_operands = 2 : i64, tpu.core_type = #tpu.core_type<tc>} {
    %get3A = arith.constant 0 : index
    %get3A_0 = arith.constant 0 : index
    %get3A_1 = vector.load %arg0[%get3A, %get3A_0] : memref<1024x128xf32, #tpu.memory_space<vmem>>, vector<1024x128xf32>
    %get3A_2 = arith.constant 0 : index
    %get3A_3 = arith.constant 0 : index
    %get3A_4 = vector.load %arg1[%get3A_2, %get3A_3] : memref<1024x128xf32, #tpu.memory_space<vmem>>, vector<1024x128xf32>
    %sub3A = arith.subf %get3A_1, %get3A_4 : vector<1024x128xf32>
    %swap3A = arith.constant 0 : index
    %swap3A_5 = arith.constant 0 : index
    %swap3A_6 = vector.load %arg4[%swap3A, %swap3A_5] : memref<1024x128xf32, #tpu.memory_space<vmem>>, vector<1024x128xf32>
    tpu.vector_store %arg4[%swap3A, %swap3A_5], %sub3A {strides = array<i32>} : memref<1024x128xf32, #tpu.memory_space<vmem>>, vector<1024x128xf32>,
    %bitcast_convert_type3A = tpu.bitcast %sub3A : vector<1024x128xf32> -> vector<1024x128xi32>
    %ge3A = arith.constant 0 : i32
    %ge3A_7 = vector.broadcast %ge3A : i32 to vector<1024x128xi32>
    %ge3A_8 = arith.cmpi sge, %bitcast_convert_type3A, %ge3A_7 : vector<1024x128xi32>
    %not3A = arith.constant dense<-1> : vector<1024x128xi32>
    %not3A_9 = arith.xori %bitcast_convert_type3A, %not3A : vector<1024x128xi32>
    %xor3A = arith.constant -2147483648 : i32
    %xor3A_10 = vector.broadcast %xor3A : i32 to vector<1024x128xi32>
    %xor3A_11 = arith.xori %not3A_9, %xor3A_10 : vector<1024x128xi32>
    %select_n3A = arith.select %ge3A_8, %bitcast_convert_type3A, %xor3A_11 : vector<1024x128xi1>, vector<1024x128xi32>
    %swap3A_12 = arith.constant 0 : index
    %swap3A_13 = arith.constant 0 : index
    %swap3A_14 = vector.load %arg3[%swap3A_12, %swap3A_13] : memref<1024x128xi32, #tpu.memory_space<vmem>>, vector<1024x128xi32>
    tpu.vector_store %arg3[%swap3A_12, %swap3A_13], %select_n3A {strides = array<i32>} : memref<1024x128xi32, #tpu.memory_space<vmem>>, vector<1024x128xi32>,
    %scan3A = arith.constant -2147483648 : i32
    %scan3A_15 = arith.constant 32768 : i32
    %scan3A_16 = arith.constant 32769 : i32
    %scan3A_17 = arith.constant 0 : i32
    %scan3A_18 = arith.constant 0 : i32
    %scan3A_19 = arith.constant 0 : i32
    %scan3A_20 = arith.constant 32 : i32
    %scan3A_21 = arith.addi %scan3A_19, %scan3A_20 : i32
    %scan3A_22 = arith.constant 1 : i32
    %scan3A_23:2 = scf.for %scan3A_95 = %scan3A_19 to %scan3A_21 step %scan3A_22 iter_args(%scan3A_96 = %scan3A_17, %scan3A_97 = %scan3A_18) -> (i32, i32)  : i32 {
      %sub3A_98 = arith.constant 31 : i32
      %sub3A_99 = arith.subi %sub3A_98, %scan3A_95 : i32
      %shift_left3A = arith.constant 1 : i32
      %shift_left3A_100 = arith.shli %shift_left3A, %sub3A_99 : i32
      %or3A = arith.ori %scan3A_96, %shift_left3A_100 : i32
      %or3A_101 = arith.ori %scan3A_97, %shift_left3A_100 : i32
      %get3A_102 = arith.constant 0 : index
      %get3A_103 = arith.constant 0 : index
      %get3A_104 = vector.load %arg3[%get3A_102, %get3A_103] : memref<1024x128xi32, #tpu.memory_space<vmem>>, vector<1024x128xi32>
      %xor3A_105 = arith.xori %or3A, %scan3A : i32
      %ge3A_106 = vector.broadcast %xor3A_105 : i32 to vector<1024x128xi32>
      %ge3A_107 = arith.cmpi sge, %get3A_104, %ge3A_106 : vector<1024x128xi32>
      %convert_element_type3A_108 = arith.extui %ge3A_107 : vector<1024x128xi1> to vector<1024x128xi32>
      %reduce_sum3A_109 = vector.shape_cast %convert_element_type3A_108 : vector<1024x128xi32> to vector<1x1024x128xi32>
      %reduce_sum3A_110 = arith.constant dense<0> : vector<1xi32>
      %reduce_sum3A_111 = vector.multi_reduction <add>, %reduce_sum3A_109, %reduce_sum3A_110 [1, 2] : vector<1x1024x128xi32> to vector<1xi32>
      %reduce_sum3A_112 = vector.shape_cast %reduce_sum3A_111 : vector<1xi32> to vector<1x1x1xi32>
      %reduce_sum3A_113 = vector.extract %reduce_sum3A_112[0, 0, 0] : i32 from vector<1x1x1xi32>
      %xor3A_114 = arith.xori %or3A_101, %scan3A : i32
      %ge3A_115 = vector.broadcast %xor3A_114 : i32 to vector<1024x128xi32>
      %ge3A_116 = arith.cmpi sge, %get3A_104, %ge3A_115 : vector<1024x128xi32>
      %convert_element_type3A_117 = arith.extui %ge3A_116 : vector<1024x128xi1> to vector<1024x128xi32>
      %reduce_sum3A_118 = vector.shape_cast %convert_element_type3A_117 : vector<1024x128xi32> to vector<1x1024x128xi32>
      %reduce_sum3A_119 = arith.constant dense<0> : vector<1xi32>
      %reduce_sum3A_120 = vector.multi_reduction <add>, %reduce_sum3A_118, %reduce_sum3A_119 [1, 2] : vector<1x1024x128xi32> to vector<1xi32>
      %reduce_sum3A_121 = vector.shape_cast %reduce_sum3A_120 : vector<1xi32> to vector<1x1x1xi32>
      %reduce_sum3A_122 = vector.extract %reduce_sum3A_121[0, 0, 0] : i32 from vector<1x1x1xi32>
      %ge3A_123 = arith.cmpi sge, %reduce_sum3A_113, %scan3A_15 : i32
      %select_n3A_124 = arith.select %ge3A_123, %or3A, %scan3A_96 : i32
      %ge3A_125 = arith.cmpi sge, %reduce_sum3A_122, %scan3A_16 : i32
      %select_n3A_126 = arith.select %ge3A_125, %or3A_101, %scan3A_97 : i32
      scf.yield %select_n3A_124, %select_n3A_126 : i32, i32
    }
    %scan3A_24 = arith.constant 32 : i32
    %xor3A_25 = arith.constant -2147483648 : i32
    %xor3A_26 = arith.xori %scan3A_23#0, %xor3A_25 : i32
    %xor3A_27 = arith.constant -2147483648 : i32
    %xor3A_28 = arith.xori %scan3A_23#1, %xor3A_27 : i32
    %get3A_29 = arith.constant 0 : index
    %get3A_30 = arith.constant 0 : index
    %get3A_31 = vector.load %arg3[%get3A_29, %get3A_30] : memref<1024x128xi32, #tpu.memory_space<vmem>>, vector<1024x128xi32>
    %get3A_32 = arith.constant 0 : index
    %get3A_33 = arith.constant 0 : index
    %get3A_34 = vector.load %arg4[%get3A_32, %get3A_33] : memref<1024x128xf32, #tpu.memory_space<vmem>>, vector<1024x128xf32>
    %eq3A = vector.broadcast %xor3A_26 : i32 to vector<1024x128xi32>
    %eq3A_35 = arith.cmpi eq, %get3A_31, %eq3A : vector<1024x128xi32>
    %jit3A = arith.constant 0xFF800000 : f32
    %broadcast_in_dim3A = vector.broadcast %jit3A : f32 to vector<1024x128xf32>
    %select_n3A_36 = arith.select %eq3A_35, %get3A_34, %broadcast_in_dim3A : vector<1024x128xi1>, vector<1024x128xf32>
    %reduce_max3A = vector.shape_cast %select_n3A_36 : vector<1024x128xf32> to vector<1x1024x128xf32>
    %reduce_max3A_37 = arith.constant dense<0xFF800000> : vector<1xf32>
    %reduce_max3A_38 = vector.multi_reduction <maximumf>, %reduce_max3A, %reduce_max3A_37 [1, 2] : vector<1x1024x128xf32> to vector<1xf32>
    %reduce_max3A_39 = vector.shape_cast %reduce_max3A_38 : vector<1xf32> to vector<1x1x1xf32>
    %reduce_max3A_40 = vector.extract %reduce_max3A_39[0, 0, 0] : f32 from vector<1x1x1xf32>
    %eq3A_41 = vector.broadcast %xor3A_28 : i32 to vector<1024x128xi32>
    %eq3A_42 = arith.cmpi eq, %get3A_31, %eq3A_41 : vector<1024x128xi32>
    %jit3A_43 = arith.constant 0xFF800000 : f32
    %broadcast_in_dim3A_44 = vector.broadcast %jit3A_43 : f32 to vector<1024x128xf32>
    %select_n3A_45 = arith.select %eq3A_42, %get3A_34, %broadcast_in_dim3A_44 : vector<1024x128xi1>, vector<1024x128xf32>
    %reduce_max3A_46 = vector.shape_cast %select_n3A_45 : vector<1024x128xf32> to vector<1x1024x128xf32>
    %reduce_max3A_47 = arith.constant dense<0xFF800000> : vector<1xf32>
    %reduce_max3A_48 = vector.multi_reduction <maximumf>, %reduce_max3A_46, %reduce_max3A_47 [1, 2] : vector<1x1024x128xf32> to vector<1xf32>
    %reduce_max3A_49 = vector.shape_cast %reduce_max3A_48 : vector<1xf32> to vector<1x1x1xf32>
    %reduce_max3A_50 = vector.extract %reduce_max3A_49[0, 0, 0] : f32 from vector<1x1x1xf32>
    %gt3A = vector.broadcast %xor3A_26 : i32 to vector<1024x128xi32>
    %gt3A_51 = arith.cmpi sgt, %get3A_31, %gt3A : vector<1024x128xi32>
    %convert_element_type3A = arith.extui %gt3A_51 : vector<1024x128xi1> to vector<1024x128xi32>
    %convert_element_type3A_52 = arith.sitofp %convert_element_type3A : vector<1024x128xi32> to vector<1024x128xf32>
    %reduce_sum3A = vector.shape_cast %convert_element_type3A_52 : vector<1024x128xf32> to vector<1x1024x128xf32>
    %reduce_sum3A_53 = arith.constant dense<0.000000e+00> : vector<1xf32>
    %reduce_sum3A_54 = vector.multi_reduction <add>, %reduce_sum3A, %reduce_sum3A_53 [1, 2] : vector<1x1024x128xf32> to vector<1xf32>
    %reduce_sum3A_55 = vector.shape_cast %reduce_sum3A_54 : vector<1xf32> to vector<1x1x1xf32>
    %reduce_sum3A_56 = vector.extract %reduce_sum3A_55[0, 0, 0] : f32 from vector<1x1x1xf32>
    %jit3A_57 = arith.constant 0.000000e+00 : f32
    %broadcast_in_dim3A_58 = vector.broadcast %jit3A_57 : f32 to vector<1024x128xf32>
    %select_n3A_59 = arith.select %gt3A_51, %get3A_34, %broadcast_in_dim3A_58 : vector<1024x128xi1>, vector<1024x128xf32>
    %reduce_sum3A_60 = vector.shape_cast %select_n3A_59 : vector<1024x128xf32> to vector<1x1024x128xf32>
    %reduce_sum3A_61 = arith.constant dense<0.000000e+00> : vector<1xf32>
    %reduce_sum3A_62 = vector.multi_reduction <add>, %reduce_sum3A_60, %reduce_sum3A_61 [1, 2] : vector<1x1024x128xf32> to vector<1xf32>
    %reduce_sum3A_63 = vector.shape_cast %reduce_sum3A_62 : vector<1xf32> to vector<1x1x1xf32>
    %reduce_sum3A_64 = vector.extract %reduce_sum3A_63[0, 0, 0] : f32 from vector<1x1x1xf32>
    %sub3A_65 = arith.constant 3.276800e+04 : f32
    %sub3A_66 = arith.subf %sub3A_65, %reduce_sum3A_56 : f32
    %mul3A = arith.mulf %reduce_max3A_40, %sub3A_66 : f32
    %add3A = arith.addf %reduce_sum3A_64, %mul3A : f32
    %div3A = arith.constant 3.276800e+04 : f32
    %div3A_67 = arith.divf %add3A, %div3A : f32
    %gt3A_68 = arith.constant 0.699999988 : f32
    %gt3A_69 = vector.broadcast %gt3A_68 : f32 to vector<1024x128xf32>
    %gt3A_70 = arith.cmpf ogt, %get3A_34, %gt3A_69 : vector<1024x128xf32>
    %jit3A_71 = arith.constant 0.000000e+00 : f32
    %broadcast_in_dim3A_72 = vector.broadcast %jit3A_71 : f32 to vector<1024x128xf32>
    %select_n3A_73 = arith.select %gt3A_70, %get3A_34, %broadcast_in_dim3A_72 : vector<1024x128xi1>, vector<1024x128xf32>
    %reduce_sum3A_74 = vector.shape_cast %select_n3A_73 : vector<1024x128xf32> to vector<1x1024x128xf32>
    %reduce_sum3A_75 = arith.constant dense<0.000000e+00> : vector<1xf32>
    %reduce_sum3A_76 = vector.multi_reduction <add>, %reduce_sum3A_74, %reduce_sum3A_75 [1, 2] : vector<1x1024x128xf32> to vector<1xf32>
    %reduce_sum3A_77 = vector.shape_cast %reduce_sum3A_76 : vector<1xf32> to vector<1x1x1xf32>
    %reduce_sum3A_78 = vector.extract %reduce_sum3A_77[0, 0, 0] : f32 from vector<1x1x1xf32>
    %convert_element_type3A_79 = arith.extui %gt3A_70 : vector<1024x128xi1> to vector<1024x128xi32>
    %convert_element_type3A_80 = arith.sitofp %convert_element_type3A_79 : vector<1024x128xi32> to vector<1024x128xf32>
    %reduce_sum3A_81 = vector.shape_cast %convert_element_type3A_80 : vector<1024x128xf32> to vector<1x1024x128xf32>
    %reduce_sum3A_82 = arith.constant dense<0.000000e+00> : vector<1xf32>
    %reduce_sum3A_83 = vector.multi_reduction <add>, %reduce_sum3A_81, %reduce_sum3A_82 [1, 2] : vector<1x1024x128xf32> to vector<1xf32>
    %reduce_sum3A_84 = vector.shape_cast %reduce_sum3A_83 : vector<1xf32> to vector<1x1x1xf32>
    %reduce_sum3A_85 = vector.extract %reduce_sum3A_84[0, 0, 0] : f32 from vector<1x1x1xf32>
    %max3A = arith.constant 1.000000e+00 : f32
    %max3A_86 = arith.maximumf %reduce_sum3A_85, %max3A : f32
    %div3A_87 = arith.divf %reduce_sum3A_78, %max3A_86 : f32
    %gt3A_88 = arith.constant 0.699999988 : f32
    %gt3A_89 = arith.cmpf ogt, %reduce_max3A_50, %gt3A_88 : f32
    %select_n3A_90 = arith.select %gt3A_89, %div3A_87, %div3A_67 : f32
    %broadcast_in_dim3A_91 = vector.broadcast %select_n3A_90 : f32 to vector<1x1xf32>
    %swap3A_92 = arith.constant 0 : index
    %swap3A_93 = arith.constant 0 : index
    %swap3A_94 = vector.load %arg2[%swap3A_92, %swap3A_93] : memref<1x1xf32, #tpu.memory_space<vmem>>, vector<1x1xf32>
    tpu.vector_store %arg2[%swap3A_92, %swap3A_93], %broadcast_in_dim3A_91 {strides = array<i32>} : memref<1x1xf32, #tpu.memory_space<vmem>>, vector<1x1xf32>,
    return
  }
}

module attributes {stable_mosaic.version = 14 : i64} {
  func.func @_logz_body(%arg0: i32, %arg1: memref<2048x256xf32, #tpu.memory_space<vmem>>, %arg2: memref<1x1x2048xf32, #tpu.memory_space<vmem>>) attributes {dimension_semantics = [#tpu.dimension_semantics<arbitrary>], iteration_bounds = array<i64: 64>, scalar_prefetch = 0 : i64, scratch_operands = 0 : i64, tpu.core_type = #tpu.core_type<tc>, window_params = [{transform_indices = @transform_0, window_bounds = array<i64: 2048, 256>}, {transform_indices = @transform_1, window_bounds = array<i64: 1, 1, 2048>}]} {
    %get3A = arith.constant 0 : index
    %get3A_0 = arith.constant 0 : index
    %get3A_1 = vector.load %arg1[%get3A, %get3A_0] : memref<2048x256xf32, #tpu.memory_space<vmem>>, vector<2048x256xf32>
    %reduce_max3A = arith.constant dense<0xFF800000> : vector<2048xf32>
    %reduce_max3A_2 = vector.multi_reduction <maximumf>, %get3A_1, %reduce_max3A [1] : vector<2048x256xf32> to vector<2048xf32>
    %broadcast_in_dim3A = vector.shape_cast %reduce_max3A_2 : vector<2048xf32> to vector<2048x1xf32>
    %sub3A = vector.broadcast %broadcast_in_dim3A : vector<2048x1xf32> to vector<2048x256xf32>
    %sub3A_3 = arith.subf %get3A_1, %sub3A : vector<2048x256xf32>
    %exp3A = math.exp %sub3A_3 : vector<2048x256xf32>
    %reduce_sum3A = arith.constant dense<0.000000e+00> : vector<2048xf32>
    %reduce_sum3A_4 = vector.multi_reduction <add>, %exp3A, %reduce_sum3A [1] : vector<2048x256xf32> to vector<2048xf32>
    %squeeze3A = vector.shape_cast %broadcast_in_dim3A : vector<2048x1xf32> to vector<2048xf32>
    %log3A = math.log %reduce_sum3A_4 : vector<2048xf32>
    %add3A = arith.addf %squeeze3A, %log3A : vector<2048xf32>
    %swap3A = arith.constant 0 : index
    %swap3A_5 = arith.constant 0 : index
    %swap3A_6 = arith.constant 0 : index
    %swap3A_7 = vector.load %arg2[%swap3A, %swap3A_5, %swap3A_6] : memref<1x1x2048xf32, #tpu.memory_space<vmem>>, vector<1x1x2048xf32>
    %swap3A_8 = vector.shape_cast %swap3A_7 : vector<1x1x2048xf32> to vector<2048xf32>
    %swap3A_9 = vector.shape_cast %add3A : vector<2048xf32> to vector<1x1x2048xf32>
    tpu.vector_store %arg2[%swap3A, %swap3A_5, %swap3A_6], %swap3A_9 {strides = array<i32>} : memref<1x1x2048xf32, #tpu.memory_space<vmem>>, vector<1x1x2048xf32>,
    return
  }
  func.func @transform_0(%arg0: i32) -> (i32, i32) {
    %c0_i32 = arith.constant 0 : i32
    %c0_i32_0 = arith.constant 0 : i32
    return %arg0, %c0_i32 : i32, i32
  }
  func.func @transform_1(%arg0: i32) -> (i32, i32, i32) {
    %c0_i32 = arith.constant 0 : i32
    %c0_i32_0 = arith.constant 0 : i32
    %c0_i32_1 = arith.constant 0 : i32
    return %arg0, %c0_i32, %c0_i32_0 : i32, i32, i32
  }
}

</mosaic_0001>

<sc_bundles>
// kernel: kernel.5.cloned.1.call-start
scs
__scs_entry_jumppad:
0x0: {  	(pc) =	sbr.rel $0x88, $3  }
0x1: {  	(tag) =	ssettag $0x0;
	lr =	simm.s32 $0x1  }
0x2: {  	[smem:$0x3F9F] =	sst lr;
	_ =	strace $0xD0000000  }
0x3: {  	_ = 	snop  }
0x4: {  	_ = 	snop  }
0x5: {  	_ = 	snop  }
0x6: {  	_ = 	snop  }
0x7: {  	_ = 	snop  }
__scs_overlays_trampoline_lowered:
0x8: {  	[smem:$0x3FAE] =	sst s0  }
0x9: {  	[smem:$0x3FAF] =	sst s1  }
0xa: {  	[smem:$0x3FB0] =	sst s2  }
0xb: {  	[smem:$0x3FB1] =	sst s3  }
0xc: {  	[smem:$0x3FB2] =	sst s4  }
0xd: {  	[smem:$0x3FB3] =	sst s5  }
0xe: {  	[smem:$0x3FB4] =	sst s6  }
0xf: {  	[smem:$0x3FB5] =	sst s7  }
0x10: {  	[smem:$0x3FB6] =	sst s8  }
0x11: {  	[smem:$0x3FB7] =	sst s9;
	s0 =	simm.s32 @!p0 $0x0  }
0x12: {  	s1 =	sld [smem:$0x3F9D];
	s0 =	simm.s32 @p0 $0x1  }
0x13: {  	[smem:$0x3FB8] =	sst s0;
	s0 =	simm.s32 @!p1 $0x0  }
0x14: {  	s2 =	sld [smem:$0x3F9C];
	s0 =	simm.s32 @p1 $0x1  }
0x15: {  	[smem:$0x3FB9] =	sst s0;
	s0 =	simm.s32 @!p2 $0x0  }
0x16: {  	s3 =	sld [smem:$0x3FDB];
	s0 =	simm.s32 @p2 $0x1  }
0x17: {  	s4 =	simm.s32 $0x1BF5;
	[smem:$0x3FBB] =	sst s0  }
0x18: {  	s0 =	sld [smem:$0x3F9E];
	_ =	swait.ge [sflag:s4], $0x0  }
0x19: {  	s7 =	sld [smem:$0x3F9F]  }
0x1a: {  	s8 =	sadd.s32 $0xFFFFE003, lr  }
0x1b: {  	s9 =	sadd.s32 $0xFFFFFEF7, lr;
	s5 =	simm.s32 $0xFFFFFFFF;
	p2 =	slt.u32 s8, $0xFFFFF086  }
0x1c: {  	p1 =	slt.u32 s9, $0xF7A;
	s5 =	simm.s32 @!p2 $0x0  }
0x1d: {  	s5 =	simm.s32 @p1 $0x1;
	p0 =	seq.s32 s7, s2  }
0x1e: {  	s7 =	smul.u32 @!p0 $0xF7A, s2;
	p2 =	seq.s32 @!p0 s5, $0x0  }
0x1f: {  	s9 =	smul.u32 $0xF7A, s1;
	s8 =	simm.s32 @!p0 $0x1BF5;
	p2 =	por !p2, p0  }
0x20: {  	[sflag:s8] =	ssyncset.s32 @!p0 $0xFFFFF086;
	s6 =	sadd.s32 @!p0 s3, s7;
	s7 =	simm.s32 @!p0 $0x108  }
0x21: {  	s3 =	sadd.s32 s3, s9;
	s6 =	sadd.s32 @!p0 $0x88, s6;
	s7 =	simm.s32 @p2 $0x1082  }
0x22: {  	[simem:s7], [sflag:s8] =	dma.local @!p0 [hbm:s6], $0xF7A  }
0x23: {  	s9 =	sor.u32 $0xD0000000, s2;
	s6 =	simm.s32 $0x108;
	_ =	swait.ge @!p0 [sflag:s8], $0x0  }
0x24: {  	s3 =	sadd.s32 $0x88, s3;
	s6 =	simm.s32 @!p1 $0x1082;
	[sflag:s4] =	ssyncset.s32 $0xFFFFF086  }
0x25: {  	[simem:s6], [sflag:s4] =	dma.local [hbm:s3], $0xF7A  }
0x26: {  	[smem:$0x3F9F] =	sst s1;
	(tag) =	ssettag s2;
	_ =	strace s9  }
0x27: {  	s1 =	sld [smem:$0x3FAF]  }
0x28: {  	s2 =	sld [smem:$0x3FB0]  }
0x29: {  	s4 =	sld [smem:$0x3FB2]  }
0x2a: {  	p0 =	seq.s32 s5, $0x0;
	s5 =	sld [smem:$0x3FB3]  }
0x2b: {  	s6 =	sld [smem:$0x3FB4]  }
0x2c: {  	s7 =	sld [smem:$0x3FB5]  }
0x2d: {  	s3 =	simm.s32 $0x108;
	s8 =	sld [smem:$0x3FB6]  }
0x2e: {  	s3 =	simm.s32 @!p0 $0x1082;
	s9 =	sld [smem:$0x3FB7]  }
0x2f: {  	lr =	sadd.s32 s0, s3;
	s0 =	sld [smem:$0x3FAE]  }
0x30: {  	s3 =	sld [smem:$0x3FB1]  }
0x31: {  	[smem:$0x3FBA] =	sst s10  }
0x32: {  	s10 =	sld [smem:$0x3FB8];
	_ =	sdelay $0x3  }
0x33: {  	p0 =	seq.s32 s10, $0x1;
	s10 =	sld [smem:$0x3FBA];
	_ =	sdelay $0x3  }
0x34: {  	[smem:$0x3FBA] =	sst s10  }
0x35: {  	s10 =	sld [smem:$0x3FB9];
	_ =	sdelay $0x3  }
0x36: {  	p1 =	seq.s32 s10, $0x1;
	s10 =	sld [smem:$0x3FBA];
	_ =	sdelay $0x3  }
0x37: {  	[smem:$0x3FBA] =	sst s10  }
0x38: {  	s10 =	sld [smem:$0x3FBB]  }
0x39: {  	_ = 	snop;
	(pc) =	sbr.ind lr, $3  }
0x3a: {  	_ = 	snop  }
0x3b: {  	_ = 	snop  }
0x3c: {  	p2 =	seq.s32 s10, $0x1;
	s10 =	sld [smem:$0x3FBA]  }
0x3d: {  	_ =	shalt  }
0x3e: {  	_ =	shalt  }
0x3f: {  	_ =	shalt  }
0x40: {  	_ =	shalt  }
0x41: {  	_ =	shalt  }
0x42: {  	_ =	shalt  }
0x43: {  	_ =	shalt  }
0x44: {  	_ =	shalt  }
0x45: {  	_ =	shalt  }
0x46: {  	_ =	shalt  }
0x47: {  	_ =	shalt  }
0x48: {  	_ =	shalt  }
0x49: {  	_ =	shalt  }
0x4a: {  	_ =	shalt  }
0x4b: {  	_ =	shalt  }
0x4c: {  	_ =	shalt  }
0x4d: {  	_ =	shalt  }
0x4e: {  	_ =	shalt  }
0x4f: {  	_ =	shalt  }
0x50: {  	_ =	shalt  }
0x51: {  	_ =	shalt  }
0x52: {  	_ =	shalt  }
0x53: {  	_ =	shalt  }
0x54: {  	_ =	shalt  }
0x55: {  	_ =	shalt  }
0x56: {  	_ =	shalt  }
0x57: {  	_ =	shalt  }
0x58: {  	_ =	shalt  }
0x59: {  	_ =	shalt  }
0x5a: {  	_ =	shalt  }
0x5b: {  	_ =	shalt  }
0x5c: {  	_ =	shalt  }
0x5d: {  	_ =	shalt  }
0x5e: {  	_ =	shalt  }
0x5f: {  	_ =	shalt  }
0x60: {  	_ =	shalt  }
0x61: {  	_ =	shalt  }
0x62: {  	_ =	shalt  }
0x63: {  	_ =	shalt  }
0x64: {  	_ =	shalt  }
0x65: {  	_ =	shalt  }
0x66: {  	_ =	shalt  }
0x67: {  	_ =	shalt  }
0x68: {  	_ =	shalt  }
0x69: {  	_ =	shalt  }
0x6a: {  	_ =	shalt  }
0x6b: {  	_ =	shalt  }
0x6c: {  	_ =	shalt  }
0x6d: {  	_ =	shalt  }
0x6e: {  	_ =	shalt  }
0x6f: {  	_ =	shalt  }
0x70: {  	_ =	shalt  }
0x71: {  	_ =	shalt  }
0x72: {  	_ =	shalt  }
0x73: {  	_ =	shalt  }
0x74: {  	_ =	shalt  }
0x75: {  	_ =	shalt  }
0x76: {  	_ =	shalt  }
0x77: {  	_ =	shalt  }
0x78: {  	_ =	shalt  }
0x79: {  	_ =	shalt  }
0x7a: {  	_ =	shalt  }
0x7b: {  	_ =	shalt  }
0x7c: {  	_ =	shalt  }
0x7d: {  	_ =	shalt  }
0x7e: {  	_ =	shalt  }
0x7f: {  	_ =	shalt  }
0x80: {  	_ =	shalt  }
0x81: {  	_ =	shalt  }
0x82: {  	_ =	shalt  }
0x83: {  	_ =	shalt  }
0x84: {  	_ =	shalt  }
0x85: {  	_ =	shalt  }
0x86: {  	_ =	shalt  }
0x87: {  	_ =	shalt  }
.Lfunc_end0:
.L_simem_size_0:
called_computation.1_lowered:
.L_overlay_start_0:
0x88: {  	s2 =	sld [smem:$0x3FD9]  }
0x89: {  	s3 =	sld [smem:$0x3FFE];
	_ =	sdelay $0x1  }
0x8a: {  	s1 =	srdreg.scid  }
0x8b: {  	s0 =	sand.u32 $0x1, s1  }
0x8c: {  	s16 =	sshll.u32 s0, $0xA;
	s2 =	sadd.s32 s3, s2  }
0x8d: {  	s2 =	sadd.s32 s2, s16  }
0x8e: {  	[smem:$0x3FC6] =	sst s2  }
0x8f: {  	_ = 	snop  }
0x90: {  	(tm) =	ssettm $0x1  }
0x91: {  	s17 =	sld [smem:$0x3FFB];
	_ =	sdelay $0x3  }
0x92: {  	_ =	strace s17  }
0x93: {  	s2 =	sld [smem:$0x3FFC];
	_ =	sdelay $0x3  }
0x94: {  	_ =	strace s2  }
0x95: {  	s2 =	sld [smem:$0x3FFD];
	_ =	sdelay $0x3  }
0x96: {  	_ =	strace s2  }
0x97: {  	_ =	strace $0x8FFFFFFF  }
0x98: {  	s18 =	sld [smem:$0x3FDB];
	_ =	sdelay $0x1  }
0x99: {  	s19 =	simm.s32 $_scs_section_size  }
0x9a: {  	s4 =	simm.s32 $_size__tile_overlayer_lowered;
	s5 =	simm.s32 $_tile_overlayer_lowered  }
0x9b: {  	s22 =	simm.s32 $0x1BFF;
	s21 =	sshll.u32 s5, $0x1;
	s2 =	sadd.s32 s19, s18  }
0x9c: {  	s6 =	simm.s32 $0x0;
	s20 =	sshll.u32 s4, $0x1;
	s4 =	sadd.s32 s21, s2  }
0x9d: {  	[timem:s6], [sflag:s22] =	dma.local [hbm:s4], s20  }
0x9e: {  	_ =	swait.ge [sflag:s22], s20  }
0x9f: {  	s3 =	ssub.s32 $0x0, s20;
	[sflag:s22] =	ssyncset.done $0x0  }
0xa0: {  	[sflag:s22] =	ssyncadd.s32 s3;
	_ =	sdelay $0x1  }
0xa1: {  	s23 =	simm.s32 $0x1B8B  }
0xa2: {  	_ =	swait.ge [sflag:s23], $0x1  }
0xa3: {  	[sflag:s23] =	ssyncset.done $0x0  }
0xa4: {  	s25 =	simm.s32 $0x1B8E;
	s24 =	sld [smem:$0x3FFE];
	[sflag:s23] =	ssyncadd.s32 $0xFFFFFFFF  }
0xa5: {  	s26 =	simm.s32 $execute0_lowered;
	[smem:$0x3FD2] =	sst s25  }
0xa6: {  	s4 =	sshll.u32 s26, $0x1;
	_ =	strace $0x80000049;
	[dreg:$0x1] =	wrdreg $0xFFFFFFFF  }
0xa7: {  	s28 =	simm.s32 $_size_execute0_lowered;
	s2 =	sadd.s32 s2, s4;
	[dreg:$0x0] =	wrdreg $0x0  }
0xa8: {  	s4 =	sshll.u32 s28, $0x1;
	[dreg:$0x2] =	wrdreg s2  }
0xa9: {  	[dreg:$0x3] =	wrdreg s4  }
0xaa: {  	[dreg:$0x4] =	wrdreg $0xC0  }
0xab: {  	_ =	task [dreg:s6], $0x5FFFF  }
0xac: {  	[dreg:$0x1] =	wrdreg $0xFFFFFFFF  }
0xad: {  	[dreg:$0x0] =	wrdreg $0x60  }
0xae: {  	[dreg:$0x2] =	wrdreg s24  }
0xaf: {  	[dreg:$0x3] =	wrdreg $0x9  }
0xb0: {  	_ =	task.clear_ibuf [dreg:s6], $0x4FFFF;
	_ =	strace $0x90000049  }
0xb1: {  	s29 =	simm.s32 $0x9;
	_ =	strace $0x8000004B  }
0xb2: {  	_ =	swait.ge [sflag:s29], $0x1  }
0xb3: {  	[sflag:s29] =	ssyncadd.s32 $0xFFFFFFFF  }
0xb4: {  	_ =	strace $0x9000004B  }
0xb5: {  	_ =	sfence  }
0xb6: {  	s30 =	sld [smem:$0x0];
	_ =	sdelay $0x2  }
0xb7: {  	s31 =	sshll.u32 s1, $0xD;
	s1 =	sshrl.u32 s1, $0x2  }
0xb8: {  	s3 =	sand.u32 $0x4000, s31;
	s1 =	sadd.s32 s1, s30  }
0xb9: {  	s0 =	sor.u32 s3, s0;
	s1 =	sshll.u32 s1, $0x11  }
0xba: {  	s0 =	sor.u32 s1, s0  }
0xbb: {  	s0 =	sadd.s32 $0x8F2B, s0  }
0xbc: {  	[sflag:s0] =	ssyncadd.remote.s32 $0x1  }
0xbd: {  	_ =	sfence.sel $0xFFFF  }
0xbe: {  	[dreg:$0x0] =	wrdreg $0xFFFFFFFF;
	(pc) =	sbr.abs _section_cstart, $3  }
0xbf: {  	[dreg:$0x1] =	wrdreg $0xFFFFFFFF  }
0xc0: {  	_ =	task.clear_ibuf [dreg:s6], $0x2FFFF;
	_ =	strace $0x9FFFFFFF  }
0xc1: {  	(tm) =	ssettm $0x7FFFFFFF  }
tec
execute0_lowered:
.L_overlay_start_1:
0x0: {  	(tag) =	ssettag $0x1  }
0x1: {  	s1 =	srdreg.scid  }
0x2: {  	s0 =	stileid.u32;
	s4 =	rddreg [dreg:$0x0];
	s10 =	simm.s32 $0x2  }
0x3: {  	s11 =	simm.s32 $0x1000;
	s12 =	simm.s32 $0x1;
	s5 =	sand.u32 $0x1, s1  }
0x4: {  	s13 =	simm.s32 $0x0;
	s30 =	sshll.u32 s0, $0x8;
	s2 =	sshll.u32 s5, $0x7  }
0x5: {  	s7 =	sshll.u32 s0, $0xD;
	s1 =	rddreg [dreg:$0x1];
	s3 =	sor.u32 s2, s30  }
0x6: {  	s8 =	ssub.s32 $0x2, s5;
	s9 =	sshll.u32 s5, $0xC;
	s3 =	sor.u32 s3, s7  }
0x7: {  	s2 =	simm.s32 $0x0;
	s31 =	sshrl.u32 s8, $0x1;
	s3 =	sand.u32 $0x18380, s3  }
0x8: {  	[smem:$0x7FF] =	sst s2;
	s8 =	ssub.s32 s8, s31;
	s6 =	sshrl.u32 s3, $0x3  }
0x9: {  	s7 =	sor.u32 s9, s7;
	s9 =	simm.s32 $0x400;
	s6 =	sadd.s32 s6, s4  }
0xa: {  	v0 =	vlaneseq.u32;
	_ =	strace $0x8000004A;
	s3 =	sadd.s32 $0xA00, s4;
	s4 =	sadd.s32 $0x400A00, s6  }
0xb: {  	v0 =	vmul.u32 $0x100, v0;
	s5 =	sadd.s32 $0x404A00, s6;
	s6 =	smax.u32 s8, $0x1;
	s8 =	simm.s32 $0x80  }
.LBB2_1:
0xc: {  	[tilespmem:s2], [sflag:$0x2] =	stream.strided.gather [hbm4b:s4+s8], $0x1000, s9, s8, $0x38;
	[tilespmem:$0x2000] =	vst v63  }
0xd: {  	_ =	swait.ge [sflag:s10], $0x1000  }
0xe: {  	[sflag:s10] =	ssyncset.done $0x0  }
0xf: {  	s15 =	simm.s32 $0x0;
	[sflag:s10] =	ssyncadd.s32 $0xFFFFF000  }
0x10: {  	v1 =	vld [tilespmem:s15+$0x0];
	_ =	sdelay $0x1  }
0x11: {  	v2 =	vmov s7  }
0x12: {  	v2 =	vshll.u32 v2, $0x8  }
0x13: {  	v2 =	vor.u32 v0, v2  }
0x14: {  	v1 =	vadd.s32 v2, v1  }
0x15: {  	s14 =	simm.s32 $0x10;
	s16 =	simm.s32 $0x80;
	[tilespmem:s15+$0x0] =	vst v1;
	s15 =	smov.u32 s7  }
.LBB2_2:
0x16: {  	p0 =	sne.s32 s16, $0x3FC0;
	v1 =	vld [tilespmem:s14+$0x0]  }
0x17: {  	s15 =	sadd.s32 $0x10, s15  }
.Ltmp0:
0x18: {  	v2 =	vmov s15;
	(pc) =	sbr.rel @p0 .LBB2_2-.Ltmp0, $4  }
0x19: {  	v2 =	vshll.u32 v2, $0x8  }
0x1a: {  	v2 =	vor.u32 v0, v2  }
0x1b: {  	v1 =	vadd.s32 v2, v1  }
0x1c: {  	[tilespmem:s14+$0x0] =	vst v1;
	s14 =	sshra.s32 s16, $0x2;
	s16 =	sadd.s32 $0x40, s16  }
0x1d: {  	v1 =	vld [tilespmem:s14+$0x0]  }
0x1e: {  	s15 =	sadd.s32 $0x10, s15  }
0x1f: {  	v2 =	vmov s15  }
0x20: {  	v2 =	vshll.u32 v2, $0x8  }
0x21: {  	v2 =	vor.u32 v0, v2  }
0x22: {  	v1 =	vadd.s32 v2, v1  }
0x23: {  	[tilespmem:s14+$0x0] =	vst v1  }
0x24: {  	[tilespmem:s11], [sflag:$0x1] =	stream.indirect.gather [hbm4b:s3+s11], $0x1, s2, s11, $0xb8;
	[tilespmem:$0x2000] =	vst v63  }
0x25: {  	s13 =	sadd.s32 $0x1, s13;
	_ =	swait.ge [sflag:s12], $0x1000  }
0x26: {  	p0 =	sne.s32 s13, s6;
	[sflag:s12] =	ssyncset.done $0x0  }
.Ltmp1:
0x27: {  	[sflag:s12] =	ssyncadd.s32 $0xFFFFF000;
	(pc) =	sbr.rel @p0 .LBB2_1-.Ltmp1, $4  }
0x28: {  	[hbm4b:s5+s8] =	stream.strided.scatter [tilespmem:s11], [sflag:$0x2], $0x1000, s9, s8, $0x38;
	[tilespmem:$0x2000] =	vst v63  }
0x29: {  	_ =	swait.ge [sflag:s10], $0x1000  }
0x2a: {  	[sflag:s10] =	ssyncset.done $0x0  }
0x2b: {  	[sflag:s10] =	ssyncadd.s32 $0xFFFFF000  }
0x2c: {  	_ =	sfence.sel $0x180000  }
0x2d: {  	[bflag:$0x0] =	sbarrier.arrive $0xFFFF  }
0x2e: {  	p0 =	sne.s32 s0, $0x0;
	_ =	strace $0x9000004A  }
0x2f: {  	s0 =	sadd.s32 @!p0 $0x100000, s1;
	[bflag:$0x2] =	sbarrier.arrive $0xFFFF  }
0x30: {  	[sflag:s0] =	ssyncadd.tile.s32 @!p0 $0x1;
	_ =	shalt  }
.Lfunc_end2:
_tile_overlayer_lowered:
.L_overlay_start_2:
0x31: {  	(tag) =	ssettag $0x2  }
0x32: {  	s0 =	rddreg [dreg:$0x0];
	s2 =	stileid.u32  }
0x33: {  	s1 =	rddreg [dreg:$0x1];
	p0 =	sne.s32 s2, $0x0  }
0x34: {  	s3 =	rddreg [dreg:$0x2];
	[bflag:$0x3] =	sbarrier.arrive $0xFFFF;
	s2 =	simm.s32 @!p0 $0x1C02  }
0x35: {  	[timem:s3], [sflag:s2] =	dma.local @!p0 [hbm:s0], s1  }
0x36: {  	s0 =	simm.s32 @!p0 $0x2  }
0x37: {  	_ =	swait.ge @!p0 [sflag:s0], s1  }
0x38: {  	s1 =	ssub.s32 @!p0 $0x0, s1;
	[sflag:s0] =	ssyncset.done @!p0 $0x0  }
0x39: {  	[sflag:s0] =	ssyncadd.s32 @!p0 s1  }
0x3a: {  	[bflag:$0x3] =	sbarrier.arrive $0xFFFF  }
0x3b: {  	_ =	shalt  }

// kernel: sparse-core-data-format-call.cloned.1.call-start
scs
called_computation_lowered:
.L_overlay_start_0:
0x0: {  	s2 =	sld [smem:$0x3FD9]  }
0x1: {  	s3 =	sld [smem:$0x3FFE];
	_ =	sdelay $0x1  }
0x2: {  	s1 =	srdreg.scid  }
0x3: {  	s0 =	sand.u32 $0x1, s1  }
0x4: {  	s18 =	sshll.u32 s0, $0xA;
	s2 =	sadd.s32 s3, s2  }
0x5: {  	s2 =	sadd.s32 s2, s18  }
0x6: {  	[smem:$0x3FC6] =	sst s2  }
0x7: {  	_ = 	snop  }
0x8: {  	s2 =	sld [smem:$0x3FC9];
	(tm) =	ssettm $0x1  }
0x9: {  	s19 =	sld [smem:$0x3FFB];
	_ =	sdelay $0x3  }
0xa: {  	_ =	strace s19  }
0xb: {  	s3 =	sld [smem:$0x3FFC];
	_ =	sdelay $0x3  }
0xc: {  	_ =	strace s3  }
0xd: {  	s3 =	sld [smem:$0x3FFD];
	_ =	sdelay $0x3  }
0xe: {  	_ =	strace s3  }
0xf: {  	_ =	strace $0x8FFFFFFF  }
0x10: {  	s20 =	sld [smem:$0x3FDB];
	_ =	sdelay $0x1  }
0x11: {  	s4 =	simm.s32 $_scs_section_size  }
0x12: {  	s5 =	simm.s32 $_size__tile_overlayer_lowered;
	s6 =	simm.s32 $_tile_overlayer_lowered  }
0x13: {  	s23 =	simm.s32 $0x1BFF;
	s22 =	sshll.u32 s6, $0x1;
	s3 =	sadd.s32 s4, s20  }
0x14: {  	s7 =	simm.s32 $0x0;
	s21 =	sshll.u32 s5, $0x1;
	s5 =	sadd.s32 s22, s3  }
0x15: {  	[timem:s7], [sflag:s23] =	dma.local [hbm:s5], s21  }
0x16: {  	_ =	swait.ge [sflag:s23], s21  }
0x17: {  	s4 =	ssub.s32 $0x0, s21;
	[sflag:s23] =	ssyncset.done $0x0  }
0x18: {  	[sflag:s23] =	ssyncadd.s32 s4;
	_ =	sdelay $0x1  }
0x19: {  	s24 =	simm.s32 $0x1B8B  }
0x1a: {  	_ =	swait.ge [sflag:s24], $0x1  }
0x1b: {  	[sflag:s24] =	ssyncset.done $0x0  }
0x1c: {  	s26 =	simm.s32 $0x1B8E;
	s25 =	sld [smem:$0x3FFE];
	[sflag:s24] =	ssyncadd.s32 $0xFFFFFFFF  }
0x1d: {  	s27 =	simm.s32 $execute0_lowered;
	[smem:$0x3FD2] =	sst s26  }
0x1e: {  	s5 =	sshll.u32 s27, $0x1;
	_ =	strace $0x80000046;
	[dreg:$0x1] =	wrdreg $0xFFFFFFFF  }
0x1f: {  	s28 =	simm.s32 $_size_execute0_lowered;
	s3 =	sadd.s32 s3, s5;
	[dreg:$0x0] =	wrdreg $0x0  }
0x20: {  	s5 =	sshll.u32 s28, $0x1;
	[dreg:$0x2] =	wrdreg s3  }
0x21: {  	[dreg:$0x3] =	wrdreg s5  }
0x22: {  	[dreg:$0x4] =	wrdreg $0xC0  }
0x23: {  	_ =	task [dreg:s7], $0x5FFFF  }
0x24: {  	[dreg:$0x1] =	wrdreg $0xFFFFFFFF  }
0x25: {  	[dreg:$0x0] =	wrdreg $0x60  }
0x26: {  	[dreg:$0x2] =	wrdreg s2  }
0x27: {  	[dreg:$0x3] =	wrdreg s25  }
0x28: {  	[dreg:$0x4] =	wrdreg $0x9  }
0x29: {  	_ =	task.clear_ibuf [dreg:s7], $0x5FFFF;
	_ =	strace $0x90000046  }
0x2a: {  	s29 =	simm.s32 $0x9;
	_ =	strace $0x80000048  }
0x2b: {  	_ =	swait.ge [sflag:s29], $0x1  }
0x2c: {  	[sflag:s29] =	ssyncadd.s32 $0xFFFFFFFF  }
0x2d: {  	_ =	strace $0x90000048  }
0x2e: {  	_ =	sfence  }
0x2f: {  	s30 =	sld [smem:$0x0];
	_ =	sdelay $0x2  }
0x30: {  	s31 =	sshll.u32 s1, $0xD;
	s1 =	sshrl.u32 s1, $0x2  }
0x31: {  	s3 =	sand.u32 $0x4000, s31;
	s1 =	sadd.s32 s1, s30  }
0x32: {  	s0 =	sor.u32 s3, s0;
	s1 =	sshll.u32 s1, $0x11  }
0x33: {  	s0 =	sor.u32 s1, s0  }
0x34: {  	s0 =	sadd.s32 $0x8F2B, s0  }
0x35: {  	[sflag:s0] =	ssyncadd.remote.s32 $0x1  }
0x36: {  	_ =	sfence.sel $0xFFFF  }
0x37: {  	[dreg:$0x0] =	wrdreg $0xFFFFFFFF;
	(pc) =	sbr.abs _section_cstart, $3  }
0x38: {  	[dreg:$0x1] =	wrdreg $0xFFFFFFFF  }
0x39: {  	_ =	task.clear_ibuf [dreg:s7], $0x2FFFF;
	_ =	strace $0x9FFFFFFF  }
0x3a: {  	(tm) =	ssettm $0x7FFFFFFF  }
0x3b: {  	_ =	shalt  }
tec
execute0_lowered:
.L_overlay_start_1:
0x0: {  	(tag) =	ssettag $0x1  }
0x1: {  	s0 =	srdreg.scid  }
0x2: {  	s1 =	sshll.u32 s0, $0x4  }
0x3: {  	s2 =	rddreg [dreg:$0x0];
	s0 =	stileid.u32;
	s1 =	sand.u32 $0x10, s1  }
0x4: {  	s4 =	rddreg [dreg:$0x1];
	s7 =	simm.s32 $0x1;
	s1 =	sor.u32 s0, s1  }
0x5: {  	s8 =	simm.s32 $0x2;
	s9 =	simm.s32 $0x0;
	s3 =	sshll.u32 s1, $0x3  }
0x6: {  	s12 =	simm.s32 $0x0;
	s11 =	simm.s32 $0x0;
	s6 =	ssub.s32 $0x4000, s3  }
.Ltmp0:
0x7: {  	s4 =	sadd.s32 $0xA00, s4;
	s5 =	sand.u32 $0xF8, s6;
	(pc) =	sbr.rel .LBB1_1-.Ltmp0, $4  }
0x8: {  	s1 =	rddreg [dreg:$0x2];
	_ =	strace $0x80000047;
	p0 =	sne.s32 s5, $0x0  }
0x9: {  	s6 =	sshrl.u32 s6, $0x8;
	s5 =	simm.s32 $0x1;
	s7 =	simm.s32 @!p0 $0x0  }
0xa: {  	s10 =	smov.u32 s3;
	[sflag:s5] =	ssyncpa.u1 $0x0;
	s6 =	sadd.s32 s7, s6  }
0xb: {  	[sflag:s8] =	ssyncpa.u1 $0x0;
	s8 =	simm.s32 $0x0;
	s7 =	sadd.s32 $0x1, s6  }
.LBB1_9:
0xc: {  	s14 =	sadd.s32 $0x100, s10  }
0xd: {  	p1 =	sgt.s32 s14, $0x3FFF  }
0xe: {  	s14 =	smov.u32 @p1 s3;
	p1 =	sne.s32 s11, s7  }
.Ltmp1:
0xf: {  	p0 =	slt.u32 s11, $0x2;
	(pc) =	sbr.rel @!p1 .LBB1_10-.Ltmp1, $4  }
0x10: {  	s13 =	simm.s32 @!p0 $0x2  }
0x11: {  	s15 =	sadd.s32 $0x1, s11;
	_ =	swait.ge @!p0 [sflag:s13], $0x4000  }
0x12: {  	s12 =	smov.u32 s10;
	s9 =	sadd.s32 $0x4000, s9;
	[sflag:s13] =	ssyncset.done @!p0 $0x0  }
0x13: {  	s11 =	smov.u32 s15;
	s10 =	smov.u32 s14;
	[sflag:s13] =	ssyncadd.s32 @!p0 $0xFFFFC000  }
.LBB1_1:
0x14: {  	p0 =	sge.u32 s11, s6  }
0x15: {  	s13 =	sxor.u32 @!p0 $0xFFFFFFFF, s11  }
0x16: {  	s31 =	sadd.s32 $0xFFFFFFFF, s11;
	s14 =	sshll.u32 @!p0 s10, $0x8;
	s13 =	sshll.u32 @!p0 s13, $0xE  }
0x17: {  	s15 =	simm.s32 @!p0 $0x0;
	s14 =	sadd.s32 @!p0 s2, s14;
	s13 =	sand.u32 @!p0 $0x4000, s13  }
0x18: {  	[tilespmem:s13], [sflag:$0x1] =	stream.linear.gather @!p0 [hbm4b:s14+s15], $0x4000, $0x38;
	[tilespmem:$0x10000] =	vst v63  }
0x19: {  	p0 =	sge.u32 s31, s6  }
.Ltmp2:
0x1a: {  	_ = 	snop;
	(pc) =	sbr.rel @p0 .LBB1_9-.Ltmp2, $1  }
0x1b: {  	_ =	sdelay $0x3  }
0x1c: {  	s13 =	sshll.u32 s9, $0x2;
	_ =	swait.ge [sflag:s5], $0x4000;
	s14 =	sshll.u32 s11, $0xE  }
0x1d: {  	s16 =	simm.s32 $0x0;
	s17 =	simm.s32 $0x0;
	s15 =	sand.u32 $0x10000, s13  }
0x1e: {  	[sflag:s5] =	ssyncset.done $0x0;
	s31 =	sand.u32 $0x4000, s14;
	s14 =	sshrl.u32 s15, $0x2  }
0x1f: {  	[sflag:s5] =	ssyncadd.s32 $0xFFFFC000;
	s13 =	sor.u32 $0x8000, s31;
	s15 =	sor.u32 $0x8000, s14  }
.LBB1_3:
0x20: {  	s18 =	sshra.s32 s16, $0x2  }
0x21: {  	v0 =	vmov s18;
	_ =	sdelay $0x3  }
0x22: {  	p1 =	por $0x1, $0x1;
	s18 =	simm.s32 $0x0  }
.LBB1_4:
0x23: {  	_ = 	snop  }
0x24: {  	s19 =	sshll.u32 s18, $0xA  }
0x25: {  	s19 =	sand.u32 $0x3FFFFC00, s19  }
0x26: {  	s19 =	sadd.s32 s19, s14  }
0x27: {  	v5 =	vld.idx.msk [tilespmem:v0+s19+$0x70 ss:$0x1], $0xffff  }
0x28: {  	v6 =	vld.idx.msk [tilespmem:v0+s19+$0x10 ss:$0x1], $0xffff  }
0x29: {  	v7 =	vld.idx.msk [tilespmem:v0+s19+$0x20 ss:$0x1], $0xffff  }
0x2a: {  	s31 =	sshll.u32 s18, $0x7;
	v1 =	vld.idx.msk [tilespmem:v0+s19+$0x30 ss:$0x1], $0xffff  }
0x2b: {  	s18 =	sand.u32 $0x3FFFFF80, s31;
	v2 =	vld.idx.msk [tilespmem:v0+s19+$0x40 ss:$0x1], $0xffff  }
0x2c: {  	s18 =	sadd.s32 s18, s15;
	v3 =	vld.idx.msk [tilespmem:v0+s19+$0x50 ss:$0x1], $0xffff  }
0x2d: {  	v4 =	vld.idx.msk [tilespmem:v0+s19+$0x60 ss:$0x1], $0xffff;
	[tilespmem:v0+s18+$0x70 ss:$0x1] =	vst.idx.msk $0xffff, v5  }
0x2e: {  	v5 =	vld.idx.msk [tilespmem:v0+s19+$0x0 ss:$0x1], $0xffff;
	[tilespmem:v0+s18+$0x10 ss:$0x1] =	vst.idx.msk $0xffff, v6;
	s19 =	sadd.s32 $0x80, s19  }
0x2f: {  	p0 =	por p1, p1;
	s20 =	simm.s32 $0x6;
	[tilespmem:v0+s18+$0x20 ss:$0x1] =	vst.idx.msk $0xffff, v7;
	v6 =	vld.idx.msk [tilespmem:v0+s19+$0x70 ss:$0x1], $0xffff  }
.LBB1_5:
0x30: {  	p1 =	sne.s32 s20, $0x1;
	v7 =	vld.idx.msk [tilespmem:v0+s19+$0x10 ss:$0x1], $0xffff;
	[tilespmem:v0+s18+$0x30 ss:$0x1] =	vst.idx.msk $0xffff, v1  }
0x31: {  	v8 =	vld.idx.msk [tilespmem:v0+s19+$0x20 ss:$0x1], $0xffff;
	[tilespmem:v0+s18+$0x40 ss:$0x1] =	vst.idx.msk $0xffff, v2  }
0x32: {  	v1 =	vld.idx.msk [tilespmem:v0+s19+$0x30 ss:$0x1], $0xffff;
	[tilespmem:v0+s18+$0x50 ss:$0x1] =	vst.idx.msk $0xffff, v3  }
.Ltmp3:
0x33: {  	v2 =	vld.idx.msk [tilespmem:v0+s19+$0x40 ss:$0x1], $0xffff;
	[tilespmem:v0+s18+$0x60 ss:$0x1] =	vst.idx.msk $0xffff, v4;
	(pc) =	sbr.rel @p1 .LBB1_5-.Ltmp3, $4  }
0x34: {  	v3 =	vld.idx.msk [tilespmem:v0+s19+$0x50 ss:$0x1], $0xffff;
	[tilespmem:v0+s18+$0x0 ss:$0x1] =	vst.idx.msk $0xffff, v5;
	s18 =	sadd.s32 $0x100, s18  }
0x35: {  	v4 =	vld.idx.msk [tilespmem:v0+s19+$0x60 ss:$0x1], $0xffff;
	[tilespmem:v0+s18+$0x70 ss:$0x1] =	vst.idx.msk $0xffff, v6  }
0x36: {  	v5 =	vld.idx.msk [tilespmem:v0+s19+$0x0 ss:$0x1], $0xffff;
	[tilespmem:v0+s18+$0x10 ss:$0x1] =	vst.idx.msk $0xffff, v7;
	s19 =	sadd.s32 $0x80, s19  }
0x37: {  	s20 =	sadd.s32 $0xFFFFFFFF, s20;
	v6 =	vld.idx.msk [tilespmem:v0+s19+$0x70 ss:$0x1], $0xffff;
	[tilespmem:v0+s18+$0x20 ss:$0x1] =	vst.idx.msk $0xffff, v8  }
0x38: {  	_ =	sdelay $0x3  }
0x39: {  	[tilespmem:v0+s18+$0x30 ss:$0x1] =	vst.idx.msk $0xffff, v1  }
0x3a: {  	v1 =	vld.idx.msk [tilespmem:v0+s19+$0x10 ss:$0x1], $0xffff;
	[tilespmem:v0+s18+$0x40 ss:$0x1] =	vst.idx.msk $0xffff, v2  }
0x3b: {  	v2 =	vld.idx.msk [tilespmem:v0+s19+$0x20 ss:$0x1], $0xffff;
	[tilespmem:v0+s18+$0x50 ss:$0x1] =	vst.idx.msk $0xffff, v3  }
0x3c: {  	v61 =	vld.idx.msk [tilespmem:v0+s19+$0x40 ss:$0x1], $0xffff;
	[tilespmem:v0+s18+$0x60 ss:$0x1] =	vst.idx.msk $0xffff, v4  }
0x3d: {  	s31 =	sadd.s32 $0x100, s18;
	v62 =	vld.idx.msk [tilespmem:v0+s19+$0x50 ss:$0x1], $0xffff;
	[tilespmem:v0+s18+$0x0 ss:$0x1] =	vst.idx.msk $0xffff, v5  }
0x3e: {  	v63 =	vld.idx.msk [tilespmem:v0+s19+$0x60 ss:$0x1], $0xffff;
	[tilespmem:v0+s31+$0x70 ss:$0x1] =	vst.idx.msk $0xffff, v6  }
0x3f: {  	v3 =	vld.idx.msk [tilespmem:v0+s19+$0x30 ss:$0x1], $0xffff;
	[tilespmem:v0+s31+$0x10 ss:$0x1] =	vst.idx.msk $0xffff, v1  }
0x40: {  	v1 =	vld.idx.msk [tilespmem:v0+s19+$0x0 ss:$0x1], $0xffff;
	[tilespmem:v0+s31+$0x20 ss:$0x1] =	vst.idx.msk $0xffff, v2  }
.Ltmp4:
0x41: {  	[tilespmem:v0+s31+$0x40 ss:$0x1] =	vst.idx.msk $0xffff, v61;
	(pc) =	sbr.rel @p0 .LBB1_4-.Ltmp4, $4  }
0x42: {  	[tilespmem:v0+s31+$0x50 ss:$0x1] =	vst.idx.msk $0xffff, v62  }
0x43: {  	[tilespmem:v0+s31+$0x60 ss:$0x1] =	vst.idx.msk $0xffff, v63  }
0x44: {  	[tilespmem:v0+s31+$0x30 ss:$0x1] =	vst.idx.msk $0xffff, v3  }
0x45: {  	p1 =	por $0x0, $0x0;
	s18 =	simm.s32 $0x1;
	[tilespmem:v0+s31+$0x0 ss:$0x1] =	vst.idx.msk $0xffff, v1  }
0x46: {  	s17 =	sadd.s32 $0x1, s17  }
0x47: {  	p0 =	sne.s32 s17, $0x8  }
.Ltmp5:
0x48: {  	_ = 	snop;
	(pc) =	sbr.rel @p0 .LBB1_3-.Ltmp5, $2  }
0x49: {  	_ =	sdelay $0x2  }
0x4a: {  	s16 =	sadd.s32 $0x2000, s16  }
.Ltmp6:
0x4b: {  	(pc) =	sbr.rel .LBB1_9-.Ltmp6, $4  }
0x4c: {  	_ = 	snop  }
0x4d: {  	s12 =	sshll.u32 s12, $0x8  }
0x4e: {  	s12 =	sadd.s32 s4, s12  }
0x4f: {  	[hbm4b:s12+s8] =	stream.linear.scatter [tilespmem:s13], [sflag:$0x2], $0x4000, $0x38;
	[tilespmem:$0x10000] =	vst v63  }
.LBB1_10:
0x50: {  	_ =	sfence.sel $0x180000  }
0x51: {  	s2 =	simm.s32 $0x1;
	[bflag:$0x0] =	sbarrier.arrive $0xFFFF  }
0x52: {  	s31 =	simm.s32 $0x2;
	[sflag:s2] =	ssyncpa.u1 $0x1  }
0x53: {  	[sflag:s31] =	ssyncpa.u1 $0x1  }
0x54: {  	p0 =	sne.s32 s0, $0x0;
	_ =	strace $0x90000047  }
0x55: {  	s0 =	sadd.s32 @!p0 $0x100000, s1;
	[bflag:$0x2] =	sbarrier.arrive $0xFFFF  }
0x56: {  	[sflag:s0] =	ssyncadd.tile.s32 @!p0 $0x1;
	_ =	shalt  }
.Lfunc_end1:
_tile_overlayer_lowered:
.L_overlay_start_2:
0x57: {  	(tag) =	ssettag $0x2  }
0x58: {  	s0 =	rddreg [dreg:$0x0];
	s2 =	stileid.u32  }
0x59: {  	s1 =	rddreg [dreg:$0x1];
	p0 =	sne.s32 s2, $0x0  }
0x5a: {  	s3 =	rddreg [dreg:$0x2];
	[bflag:$0x3] =	sbarrier.arrive $0xFFFF;
	s2 =	simm.s32 @!p0 $0x1C01  }
0x5b: {  	[timem:s3], [sflag:s2] =	dma.local @!p0 [hbm:s0], s1  }
0x5c: {  	s0 =	simm.s32 @!p0 $0x1  }
0x5d: {  	_ =	swait.ge @!p0 [sflag:s0], s1  }
0x5e: {  	s1 =	ssub.s32 @!p0 $0x0, s1;
	[sflag:s0] =	ssyncset.done @!p0 $0x0  }
0x5f: {  	[sflag:s0] =	ssyncadd.s32 @!p0 s1  }
0x60: {  	[bflag:$0x3] =	sbarrier.arrive $0xFFFF  }
0x61: {  	_ =	shalt  }

</sc_bundles>
